<compile_context>
chip_gen: v7x
topology: tpu7x:2x2x1
jax: 0.10.2.dev20260603
libtpu: 0.0.44.dev20260713+nightly
codegen_flags: <defaults>
</compile_context>

<pallas_src>
import functools

import jax
import jax.numpy as jnp
from jax import lax
from jax.experimental import pallas as pl
from jax.experimental.pallas import tpu as pltpu
from jax.experimental.pallas import tpu_sc as plsc

B = 16384
N_STIMULI = 30
N_DIM = 10
N_REF = 4
NV = N_STIMULI + 1

NC = 2
NS = 16
L = 16
NW = NC * NS
TPW = B // NW
CHUNKS = TPW // L


def _sim_body(table_ref, w0_ref, w1_ref, out_ref):
    t = table_ref[...]
    z1 = t[:, None, :]
    z2 = t[None, :, :]
    sq = (z1 - z2) * (z1 - z2)
    for g in range(2):
        w = (w0_ref if g == 0 else w1_ref)[...]
        d2 = jnp.sum(sq * w[None, None, :], axis=-1)
        s = jnp.exp(-jnp.sqrt(d2 + 1e-12))
        out_ref[g * 32:g * 32 + NV, :NV] = s


_sim_tables = pl.pallas_call(
    _sim_body,
    out_shape=jax.ShapeDtypeStruct((64, 128), jnp.float32),
)


def _sc_body(sim_hbm, sst_hbm, gate_hbm, out_hbm,
             sim_v, ss_v, gate_v, o_v, sem):
    cid = lax.axis_index("c")
    sid = lax.axis_index("s")
    wid = sid * NC + cid
    base = wid * TPW

    c1 = pltpu.async_copy(sim_hbm, sim_v, sem)
    c2 = pltpu.async_copy(sst_hbm.at[:, pl.ds(base, TPW)], ss_v, sem)
    c3 = pltpu.async_copy(gate_hbm.at[pl.ds(base, TPW)], gate_v, sem)
    c1.wait()
    c2.wait()
    c3.wait()

    @plsc.parallel_loop(0, CHUNKS, unroll=4)
    def chunk(g):
        sl = pl.ds(g * L, L)
        gq = gate_v[sl] * 4096 + ss_v[0, sl] * 128
        s_vals = [plsc.load_gather(sim_v, [gq + ss_v[1 + j, sl]])
                  for j in range(N_REF)]
        tot = (s_vals[0] + s_vals[1]) + (s_vals[2] + s_vals[3])
        inv = 1.0 / tot
        off = (g // 8) * (N_REF * 128) + (g % 8) * L
        for j in range(N_REF):
            o_v[pl.ds(off + j * 128, L)] = s_vals[j] * inv
    pltpu.sync_copy(o_v, out_hbm.at[pl.ds(base * N_REF, TPW * N_REF)])


@functools.lru_cache(maxsize=1)
def _sc_rank():
    return pl.kernel(
        _sc_body,
        out_type=jax.ShapeDtypeStruct((B * N_REF,), jnp.float32),
        mesh=plsc.VectorSubcoreMesh(core_axis_name="c", subcore_axis_name="s",
                                    num_cores=NC, num_subcores=NS),
        compiler_params=pltpu.CompilerParams(needs_layout_passes=False,
                                             use_tc_tiling_on_sc=False),
        scratch_types=[
            pltpu.VMEM((8192,), jnp.float32),
            pltpu.VMEM((1 + N_REF, TPW), jnp.int32),
            pltpu.VMEM((TPW,), jnp.int32),
            pltpu.VMEM((TPW * N_REF,), jnp.float32),
            pltpu.SemaphoreType.DMA,
        ],
    )


def kernel(stimulus_set, kernel_gate_weights, table, w0, w1):
    sim = _sim_tables(table, w0, w1)
    sst = stimulus_set.T
    out_flat = _sc_rank()(sim.reshape(8192), sst, kernel_gate_weights)
    return (out_flat.reshape(B // 128, N_REF, 128)
            .transpose(0, 2, 1).reshape(B, N_REF))

# --- scband reference (transcript-rebuilt; emitter-appended) ---
"""Pipeline reference for scband-rank-model-b-38869454029481 (READ-ONLY COPY).

The authoritative reference and input builder live on the scoring server;
editing this copy changes nothing except your own understanding.
"""

import jax, jax.numpy as jnp
import numpy as np

B = 16384
N_STIMULI = 30
N_DIM = 10
N_REF = 4


def setup_inputs(seed: int = 0) -> dict:
    key = jax.random.key(seed)
    k1, k2, k3 = jax.random.split(key, 3)
    # stimulus set: query + 4 references; values 1..30 (0 is the mask index)
    stimulus_set = jax.random.randint(k1, (B, 1 + N_REF), 0, N_STIMULI) + 1
    # gate index selecting kernel_0 or kernel_1 per trial
    kernel_gate_weights = jax.random.randint(k2, (B,), 0, 2).astype(jnp.int32)
    # learned percept embedding table (n_stimuli + 1 rows, mask_zero row 0)
    table = jax.random.normal(k3, (N_STIMULI + 1, N_DIM), dtype=jnp.float32) * 0.17
    # Minkowski per-dimension weights for the two braided kernels (trainable)
    w0 = jnp.array([1.2, 1.0, 0.1, 0.1, 0.1, 0.1, 0.1, 0.1, 0.1, 0.1], dtype=jnp.float32)
    w1 = jnp.array([0.1, 0.1, 0.1, 0.1, 0.1, 0.1, 0.1, 0.1, 1.0, 1.2], dtype=jnp.float32)
    return {
        "stimulus_set": stimulus_set,
        "kernel_gate_weights": kernel_gate_weights,
        "table": table,
        "w0": w0,
        "w1": w1,
    }


def _distance_based_similarity(zq, zr, w):
    # Minkowski distance, rho=2 (fixed), weighted per dimension
    d = jnp.sqrt(jnp.sum(w * jnp.square(zq - zr), axis=-1) + 1e-12)
    # ExponentialSimilarity: exp(-beta * d**tau) + gamma with beta=1, tau=1, gamma=0
    return jnp.exp(-d)


def reference(stimulus_set, kernel_gate_weights, table, w0, w1):
    # percept embedding lookup (gather)
    z = jnp.take(table, stimulus_set, axis=0)  # [B, 5, 10]
    zq = z[:, :1, :]   # query  [B, 1, 10]
    zr = z[:, 1:, :]   # refs   [B, 4, 10]
    # two braided DistanceBased kernels sharing the similarity function
    s0 = _distance_based_similarity(zq, zr, w0)  # [B, 4]
    s1 = _distance_based_similarity(zq, zr, w1)  # [B, 4]
    # BraidGate: blend subnet outputs by one-hot gate weights
    g = jax.nn.one_hot(kernel_gate_weights, 2, dtype=jnp.float32)  # [B, 2]
    s = g[:, :1] * s0 + g[:, 1:2] * s1  # [B, 4]
    # RankSimilarity, n_select=1: Luce-choice probability over the 4 outcomes
    prob = s / jnp.sum(s, axis=-1, keepdims=True)
    return prob

if __name__ == "__main__":
    import jax
    _d = setup_inputs()
    print(jax.jit(kernel)(*tuple(_d.values())))

</pallas_src>

<mosaic_0001>
#map = affine_map<(d0, d1) -> (0)>
#map1 = affine_map<(d0, d1) -> (0, 0)>
module attributes {stable_mosaic.version = 14 : i64} {
  func.func @_sc_body(%arg0: i32, %arg1: i32, %arg2: memref<8192xf32, #tpu.memory_space<hbm>>, %arg3: memref<5x16384xi32, #tpu.memory_space<hbm>>, %arg4: memref<16384xi32, #tpu.memory_space<hbm>>, %arg5: memref<65536xf32, #tpu.memory_space<hbm>>, %arg6: memref<8192xf32, #tpu.memory_space<vmem>>, %arg7: memref<5x512xi32, #tpu.memory_space<vmem>>, %arg8: memref<512xi32, #tpu.memory_space<vmem>>, %arg9: memref<2048xf32, #tpu.memory_space<vmem>>, %arg10: memref<!tpu.dma_semaphore, #tpu.memory_space<semaphore_mem>>) attributes {dimension_semantics = [#tpu.dimension_semantics<core_parallel>, #tpu.dimension_semantics<subcore_parallel>], iteration_bounds = array<i64: 2, 16>, scalar_prefetch = 0 : i64, scratch_operands = 5 : i64, tpu.core_type = #tpu.core_type<sc_vector_subcore>, window_params = [{transform_indices = #map}, {transform_indices = #map1}, {transform_indices = #map}, {transform_indices = #map}]} {
    %mul3A = arith.constant 2 : i32
    %mul3A_0 = arith.muli %arg1, %mul3A : i32
    %add3A = arith.addi %mul3A_0, %arg0 : i32
    %mul3A_1 = arith.constant 512 : i32
    %mul3A_2 = arith.muli %add3A, %mul3A_1 : i32
    tpu.enqueue_dma source(%arg2 : memref<8192xf32, #tpu.memory_space<hbm>>) target(%arg6 : memref<8192xf32, #tpu.memory_space<vmem>>) target_semaphore(%arg10 : memref<!tpu.dma_semaphore, #tpu.memory_space<semaphore_mem>>)
    %dma_start3A = arith.constant 0 : i32
    %dma_start3A_3 = tpu.memref_slice %arg3[%dma_start3A, %mul3A_2] : memref<5x16384xi32, #tpu.memory_space<hbm>> -> memref<5x512xi32, #tpu.memory_space<hbm>>
    %dma_start3A_4 = arith.constant 0 : i32
    %dma_start3A_5 = tpu.memref_slice %arg3[%dma_start3A_4, %mul3A_2] : memref<5x16384xi32, #tpu.memory_space<hbm>> -> memref<5x512xi32, #tpu.memory_space<hbm>>
    tpu.enqueue_dma source(%dma_start3A_5 : memref<5x512xi32, #tpu.memory_space<hbm>>) target(%arg7 : memref<5x512xi32, #tpu.memory_space<vmem>>) target_semaphore(%arg10 : memref<!tpu.dma_semaphore, #tpu.memory_space<semaphore_mem>>)
    %dma_start3A_6 = tpu.memref_slice %arg4[%mul3A_2] : memref<16384xi32, #tpu.memory_space<hbm>> -> memref<512xi32, #tpu.memory_space<hbm>>
    %dma_start3A_7 = tpu.memref_slice %arg4[%mul3A_2] : memref<16384xi32, #tpu.memory_space<hbm>> -> memref<512xi32, #tpu.memory_space<hbm>>
    tpu.enqueue_dma source(%dma_start3A_7 : memref<512xi32, #tpu.memory_space<hbm>>) target(%arg8 : memref<512xi32, #tpu.memory_space<vmem>>) target_semaphore(%arg10 : memref<!tpu.dma_semaphore, #tpu.memory_space<semaphore_mem>>)
    tpu.wait_dma2 semaphore(%arg10 : memref<!tpu.dma_semaphore, #tpu.memory_space<semaphore_mem>>) src(%arg2 : memref<8192xf32, #tpu.memory_space<hbm>>) dst(%arg6 : memref<8192xf32, #tpu.memory_space<vmem>>)
    %dma_wait3A = arith.constant 0 : i32
    %dma_wait3A_8 = tpu.memref_slice %arg3[%dma_wait3A, %mul3A_2] : memref<5x16384xi32, #tpu.memory_space<hbm>> -> memref<5x512xi32, #tpu.memory_space<hbm>>
    %dma_wait3A_9 = arith.constant 0 : i32
    %dma_wait3A_10 = tpu.memref_slice %arg3[%dma_wait3A_9, %mul3A_2] : memref<5x16384xi32, #tpu.memory_space<hbm>> -> memref<5x512xi32, #tpu.memory_space<hbm>>
    tpu.wait_dma2 semaphore(%arg10 : memref<!tpu.dma_semaphore, #tpu.memory_space<semaphore_mem>>) src(%dma_wait3A_10 : memref<5x512xi32, #tpu.memory_space<hbm>>) dst(%arg7 : memref<5x512xi32, #tpu.memory_space<vmem>>)
    %dma_wait3A_11 = tpu.memref_slice %arg4[%mul3A_2] : memref<16384xi32, #tpu.memory_space<hbm>> -> memref<512xi32, #tpu.memory_space<hbm>>
    %dma_wait3A_12 = tpu.memref_slice %arg4[%mul3A_2] : memref<16384xi32, #tpu.memory_space<hbm>> -> memref<512xi32, #tpu.memory_space<hbm>>
    tpu.wait_dma2 semaphore(%arg10 : memref<!tpu.dma_semaphore, #tpu.memory_space<semaphore_mem>>) src(%dma_wait3A_12 : memref<512xi32, #tpu.memory_space<hbm>>) dst(%arg8 : memref<512xi32, #tpu.memory_space<vmem>>)
    %parallel_loop3A = arith.constant 0 : i32
    %parallel_loop3A_13 = arith.constant 32 : i32
    %parallel_loop3A_14 = arith.constant 1 : i32
    scf.for %parallel_loop3A_17 = %parallel_loop3A to %parallel_loop3A_13 step %parallel_loop3A_14  : i32 {
      %parallel_loop3A_18 = arith.constant 16 : i32
      %parallel_loop3A_19 = arith.muli %parallel_loop3A_17, %parallel_loop3A_18 : i32
      %parallel_loop3A_20 = arith.index_cast %parallel_loop3A_19 : i32 to index
      %parallel_loop3A_21 = tpu.vector_load %arg8[%parallel_loop3A_20] {strides = array<i32>} : memref<512xi32, #tpu.memory_space<vmem>>, vector<16xi32>,
      %parallel_loop3A_22 = arith.constant 4096 : i32
      %parallel_loop3A_23 = vector.broadcast %parallel_loop3A_22 : i32 to vector<16xi32>
      %parallel_loop3A_24 = arith.muli %parallel_loop3A_21, %parallel_loop3A_23 : vector<16xi32>
      %parallel_loop3A_25 = arith.constant 0 : i32
      %parallel_loop3A_26 = arith.index_cast %parallel_loop3A_25 : i32 to index
      %parallel_loop3A_27 = arith.index_cast %parallel_loop3A_19 : i32 to index
      %parallel_loop3A_28 = tpu.vector_load %arg7[%parallel_loop3A_26, %parallel_loop3A_27] {strides = array<i32>} : memref<5x512xi32, #tpu.memory_space<vmem>>, vector<16xi32>,
      %parallel_loop3A_29 = arith.constant 128 : i32
      %parallel_loop3A_30 = vector.broadcast %parallel_loop3A_29 : i32 to vector<16xi32>
      %parallel_loop3A_31 = arith.muli %parallel_loop3A_28, %parallel_loop3A_30 : vector<16xi32>
      %parallel_loop3A_32 = arith.addi %parallel_loop3A_24, %parallel_loop3A_31 : vector<16xi32>
      %parallel_loop3A_33 = arith.constant 1 : i32
      %parallel_loop3A_34 = arith.index_cast %parallel_loop3A_33 : i32 to index
      %parallel_loop3A_35 = arith.index_cast %parallel_loop3A_19 : i32 to index
      %parallel_loop3A_36 = tpu.vector_load %arg7[%parallel_loop3A_34, %parallel_loop3A_35] {strides = array<i32>} : memref<5x512xi32, #tpu.memory_space<vmem>>, vector<16xi32>,
      %parallel_loop3A_37 = arith.addi %parallel_loop3A_32, %parallel_loop3A_36 : vector<16xi32>
      %parallel_loop3A_38 = tpu.vector_load_idx %arg6[%parallel_loop3A_37] : memref<8192xf32, #tpu.memory_space<vmem>>[vector<16xi32>], vector<16xf32>,
      %parallel_loop3A_39 = arith.constant 2 : i32
      %parallel_loop3A_40 = arith.index_cast %parallel_loop3A_39 : i32 to index
      %parallel_loop3A_41 = arith.index_cast %parallel_loop3A_19 : i32 to index
      %parallel_loop3A_42 = tpu.vector_load %arg7[%parallel_loop3A_40, %parallel_loop3A_41] {strides = array<i32>} : memref<5x512xi32, #tpu.memory_space<vmem>>, vector<16xi32>,
      %parallel_loop3A_43 = arith.addi %parallel_loop3A_32, %parallel_loop3A_42 : vector<16xi32>
      %parallel_loop3A_44 = tpu.vector_load_idx %arg6[%parallel_loop3A_43] : memref<8192xf32, #tpu.memory_space<vmem>>[vector<16xi32>], vector<16xf32>,
      %parallel_loop3A_45 = arith.constant 3 : i32
      %parallel_loop3A_46 = arith.index_cast %parallel_loop3A_45 : i32 to index
      %parallel_loop3A_47 = arith.index_cast %parallel_loop3A_19 : i32 to index
      %parallel_loop3A_48 = tpu.vector_load %arg7[%parallel_loop3A_46, %parallel_loop3A_47] {strides = array<i32>} : memref<5x512xi32, #tpu.memory_space<vmem>>, vector<16xi32>,
      %parallel_loop3A_49 = arith.addi %parallel_loop3A_32, %parallel_loop3A_48 : vector<16xi32>
      %parallel_loop3A_50 = tpu.vector_load_idx %arg6[%parallel_loop3A_49] : memref<8192xf32, #tpu.memory_space<vmem>>[vector<16xi32>], vector<16xf32>,
      %parallel_loop3A_51 = arith.constant 4 : i32
      %parallel_loop3A_52 = arith.index_cast %parallel_loop3A_51 : i32 to index
      %parallel_loop3A_53 = arith.index_cast %parallel_loop3A_19 : i32 to index
      %parallel_loop3A_54 = tpu.vector_load %arg7[%parallel_loop3A_52, %parallel_loop3A_53] {strides = array<i32>} : memref<5x512xi32, #tpu.memory_space<vmem>>, vector<16xi32>,
      %parallel_loop3A_55 = arith.addi %parallel_loop3A_32, %parallel_loop3A_54 : vector<16xi32>
      %parallel_loop3A_56 = tpu.vector_load_idx %arg6[%parallel_loop3A_55] : memref<8192xf32, #tpu.memory_space<vmem>>[vector<16xi32>], vector<16xf32>,
      %parallel_loop3A_57 = arith.addf %parallel_loop3A_38, %parallel_loop3A_44 : vector<16xf32>
      %parallel_loop3A_58 = arith.addf %parallel_loop3A_50, %parallel_loop3A_56 : vector<16xf32>
      %parallel_loop3A_59 = arith.addf %parallel_loop3A_57, %parallel_loop3A_58 : vector<16xf32>
      %parallel_loop3A_60 = arith.constant 1.000000e+00 : f32
      %parallel_loop3A_61 = vector.broadcast %parallel_loop3A_60 : f32 to vector<16xf32>
      %parallel_loop3A_62 = arith.divf %parallel_loop3A_61, %parallel_loop3A_59 : vector<16xf32>
      %parallel_loop3A_63 = arith.constant 8 : i32
      %parallel_loop3A_64 = arith.divsi %parallel_loop3A_17, %parallel_loop3A_63 : i32
      %parallel_loop3A_65 = arith.constant 0 : i32
      %parallel_loop3A_66 = arith.cmpi sgt, %parallel_loop3A_17, %parallel_loop3A_65 : i32
      %parallel_loop3A_67 = arith.extui %parallel_loop3A_66 : i1 to i32
      %parallel_loop3A_68 = arith.constant 0 : i32
      %parallel_loop3A_69 = arith.cmpi slt, %parallel_loop3A_17, %parallel_loop3A_68 : i32
      %parallel_loop3A_70 = arith.extui %parallel_loop3A_69 : i1 to i32
      %parallel_loop3A_71 = arith.subi %parallel_loop3A_67, %parallel_loop3A_70 : i32
      %parallel_loop3A_72 = arith.constant 0 : i32
      %parallel_loop3A_73 = arith.cmpi sgt, %parallel_loop3A_63, %parallel_loop3A_72 : i32
      %parallel_loop3A_74 = arith.extui %parallel_loop3A_73 : i1 to i32
      %parallel_loop3A_75 = arith.constant 0 : i32
      %parallel_loop3A_76 = arith.cmpi slt, %parallel_loop3A_63, %parallel_loop3A_75 : i32
      %parallel_loop3A_77 = arith.extui %parallel_loop3A_76 : i1 to i32
      %parallel_loop3A_78 = arith.subi %parallel_loop3A_74, %parallel_loop3A_77 : i32
      %parallel_loop3A_79 = arith.cmpi ne, %parallel_loop3A_71, %parallel_loop3A_78 : i32
      %parallel_loop3A_80 = arith.remsi %parallel_loop3A_17, %parallel_loop3A_63 : i32
      %parallel_loop3A_81 = arith.constant 0 : i32
      %parallel_loop3A_82 = arith.cmpi ne, %parallel_loop3A_80, %parallel_loop3A_81 : i32
      %parallel_loop3A_83 = arith.andi %parallel_loop3A_79, %parallel_loop3A_82 : i1
      %parallel_loop3A_84 = arith.constant 1 : i32
      %parallel_loop3A_85 = arith.subi %parallel_loop3A_64, %parallel_loop3A_84 : i32
      %parallel_loop3A_86 = arith.select %parallel_loop3A_83, %parallel_loop3A_85, %parallel_loop3A_64 : i32
      %parallel_loop3A_87 = arith.constant 512 : i32
      %parallel_loop3A_88 = arith.muli %parallel_loop3A_86, %parallel_loop3A_87 : i32
      %parallel_loop3A_89 = arith.constant 8 : i32
      %parallel_loop3A_90 = arith.constant 0 : i32
      %parallel_loop3A_91 = arith.cmpi eq, %parallel_loop3A_89, %parallel_loop3A_90 : i32
      %parallel_loop3A_92 = arith.constant 1 : i32
      %parallel_loop3A_93 = arith.select %parallel_loop3A_91, %parallel_loop3A_92, %parallel_loop3A_89 : i32
      %parallel_loop3A_94 = arith.remsi %parallel_loop3A_17, %parallel_loop3A_93 : i32
      %parallel_loop3A_95 = arith.constant 0 : i32
      %parallel_loop3A_96 = arith.cmpi ne, %parallel_loop3A_94, %parallel_loop3A_95 : i32
      %parallel_loop3A_97 = arith.constant 0 : i32
      %parallel_loop3A_98 = arith.cmpi slt, %parallel_loop3A_94, %parallel_loop3A_97 : i32
      %parallel_loop3A_99 = arith.constant 0 : i32
      %parallel_loop3A_100 = arith.cmpi slt, %parallel_loop3A_93, %parallel_loop3A_99 : i32
      %parallel_loop3A_101 = arith.xori %parallel_loop3A_98, %parallel_loop3A_100 : i1
      %parallel_loop3A_102 = arith.andi %parallel_loop3A_101, %parallel_loop3A_96 : i1
      %parallel_loop3A_103 = arith.addi %parallel_loop3A_94, %parallel_loop3A_93 : i32
      %parallel_loop3A_104 = arith.select %parallel_loop3A_102, %parallel_loop3A_103, %parallel_loop3A_94 : i32
      %parallel_loop3A_105 = arith.constant 16 : i32
      %parallel_loop3A_106 = arith.muli %parallel_loop3A_104, %parallel_loop3A_105 : i32
      %parallel_loop3A_107 = arith.addi %parallel_loop3A_88, %parallel_loop3A_106 : i32
      %parallel_loop3A_108 = arith.mulf %parallel_loop3A_38, %parallel_loop3A_62 : vector<16xf32>
      %parallel_loop3A_109 = arith.constant 0 : i32
      %parallel_loop3A_110 = arith.addi %parallel_loop3A_107, %parallel_loop3A_109 : i32
      %parallel_loop3A_111 = arith.index_cast %parallel_loop3A_110 : i32 to index
      %parallel_loop3A_112 = tpu.vector_load %arg9[%parallel_loop3A_111] {strides = array<i32>} : memref<2048xf32, #tpu.memory_space<vmem>>, vector<16xf32>,
      tpu.vector_store %arg9[%parallel_loop3A_111], %parallel_loop3A_108 {strides = array<i32>} : memref<2048xf32, #tpu.memory_space<vmem>>, vector<16xf32>,
      %parallel_loop3A_113 = arith.mulf %parallel_loop3A_44, %parallel_loop3A_62 : vector<16xf32>
      %parallel_loop3A_114 = arith.constant 128 : i32
      %parallel_loop3A_115 = arith.addi %parallel_loop3A_107, %parallel_loop3A_114 : i32
      %parallel_loop3A_116 = arith.index_cast %parallel_loop3A_115 : i32 to index
      %parallel_loop3A_117 = tpu.vector_load %arg9[%parallel_loop3A_116] {strides = array<i32>} : memref<2048xf32, #tpu.memory_space<vmem>>, vector<16xf32>,
      tpu.vector_store %arg9[%parallel_loop3A_116], %parallel_loop3A_113 {strides = array<i32>} : memref<2048xf32, #tpu.memory_space<vmem>>, vector<16xf32>,
      %parallel_loop3A_118 = arith.mulf %parallel_loop3A_50, %parallel_loop3A_62 : vector<16xf32>
      %parallel_loop3A_119 = arith.constant 256 : i32
      %parallel_loop3A_120 = arith.addi %parallel_loop3A_107, %parallel_loop3A_119 : i32
      %parallel_loop3A_121 = arith.index_cast %parallel_loop3A_120 : i32 to index
      %parallel_loop3A_122 = tpu.vector_load %arg9[%parallel_loop3A_121] {strides = array<i32>} : memref<2048xf32, #tpu.memory_space<vmem>>, vector<16xf32>,
      tpu.vector_store %arg9[%parallel_loop3A_121], %parallel_loop3A_118 {strides = array<i32>} : memref<2048xf32, #tpu.memory_space<vmem>>, vector<16xf32>,
      %parallel_loop3A_123 = arith.mulf %parallel_loop3A_56, %parallel_loop3A_62 : vector<16xf32>
      %parallel_loop3A_124 = arith.constant 384 : i32
      %parallel_loop3A_125 = arith.addi %parallel_loop3A_107, %parallel_loop3A_124 : i32
      %parallel_loop3A_126 = arith.index_cast %parallel_loop3A_125 : i32 to index
      %parallel_loop3A_127 = tpu.vector_load %arg9[%parallel_loop3A_126] {strides = array<i32>} : memref<2048xf32, #tpu.memory_space<vmem>>, vector<16xf32>,
      tpu.vector_store %arg9[%parallel_loop3A_126], %parallel_loop3A_123 {strides = array<i32>} : memref<2048xf32, #tpu.memory_space<vmem>>, vector<16xf32>,
    } {sc.loop_unroll_factor = 4 : i64, sc.parallel_access}
    %mul3A_15 = arith.constant 4 : i32
    %mul3A_16 = arith.muli %mul3A_2, %mul3A_15 : i32
    "tpu.region"() ({
      %run_scoped3A = tpu.sem_alloc : memref<!tpu.dma_semaphore, #tpu.memory_space<semaphore_mem>>
      %dma_start3A_17 = tpu.memref_slice %arg5[%mul3A_16] : memref<65536xf32, #tpu.memory_space<hbm>> -> memref<2048xf32, #tpu.memory_space<hbm>>
      %dma_start3A_18 = tpu.memref_slice %arg5[%mul3A_16] : memref<65536xf32, #tpu.memory_space<hbm>> -> memref<2048xf32, #tpu.memory_space<hbm>>
      tpu.enqueue_dma source(%arg9 : memref<2048xf32, #tpu.memory_space<vmem>>) target(%dma_start3A_18 : memref<2048xf32, #tpu.memory_space<hbm>>) target_semaphore(%run_scoped3A : memref<!tpu.dma_semaphore, #tpu.memory_space<semaphore_mem>>)
      %dma_wait3A_19 = tpu.memref_slice %arg5[%mul3A_16] : memref<65536xf32, #tpu.memory_space<hbm>> -> memref<2048xf32, #tpu.memory_space<hbm>>
      %dma_wait3A_20 = tpu.memref_slice %arg5[%mul3A_16] : memref<65536xf32, #tpu.memory_space<hbm>> -> memref<2048xf32, #tpu.memory_space<hbm>>
      tpu.wait_dma2 semaphore(%run_scoped3A : memref<!tpu.dma_semaphore, #tpu.memory_space<semaphore_mem>>) src(%arg9 : memref<2048xf32, #tpu.memory_space<vmem>>) dst(%dma_wait3A_20 : memref<2048xf32, #tpu.memory_space<hbm>>)
      tpu.yield
    }) : () -> ()
    return
  }
}

module attributes {stable_mosaic.version = 14 : i64} {
  func.func @_sim_body(%arg0: memref<31x10xf32, #tpu.memory_space<vmem>>, %arg1: memref<10xf32, #tpu.memory_space<vmem>>, %arg2: memref<10xf32, #tpu.memory_space<vmem>>, %arg3: memref<64x128xf32, #tpu.memory_space<vmem>>) attributes {dimension_semantics = [], scalar_prefetch = 0 : i64, scratch_operands = 0 : i64, tpu.core_type = #tpu.core_type<tc>} {
    %get3A = arith.constant 0 : index
    %get3A_0 = arith.constant 0 : index
    %get3A_1 = vector.load %arg0[%get3A, %get3A_0] : memref<31x10xf32, #tpu.memory_space<vmem>>, vector<31x10xf32>
    %broadcast_in_dim3A = vector.shape_cast %get3A_1 : vector<31x10xf32> to vector<31x1x10xf32>
    %broadcast_in_dim3A_2 = vector.shape_cast %get3A_1 : vector<31x10xf32> to vector<1x31x10xf32>
    %sub3A = vector.broadcast %broadcast_in_dim3A : vector<31x1x10xf32> to vector<31x31x10xf32>
    %sub3A_3 = vector.broadcast %broadcast_in_dim3A_2 : vector<1x31x10xf32> to vector<31x31x10xf32>
    %sub3A_4 = arith.subf %sub3A, %sub3A_3 : vector<31x31x10xf32>
    %sub3A_5 = vector.broadcast %broadcast_in_dim3A : vector<31x1x10xf32> to vector<31x31x10xf32>
    %sub3A_6 = vector.broadcast %broadcast_in_dim3A_2 : vector<1x31x10xf32> to vector<31x31x10xf32>
    %sub3A_7 = arith.subf %sub3A_5, %sub3A_6 : vector<31x31x10xf32>
    %mul3A = arith.mulf %sub3A_4, %sub3A_7 : vector<31x31x10xf32>
    %get3A_8 = arith.constant 0 : index
    %get3A_9 = vector.load %arg1[%get3A_8] : memref<10xf32, #tpu.memory_space<vmem>>, vector<10xf32>
    %broadcast_in_dim3A_10 = vector.shape_cast %get3A_9 : vector<10xf32> to vector<1x1x10xf32>
    %mul3A_11 = vector.broadcast %broadcast_in_dim3A_10 : vector<1x1x10xf32> to vector<31x31x10xf32>
    %mul3A_12 = arith.mulf %mul3A, %mul3A_11 : vector<31x31x10xf32>
    %reduce_sum3A = arith.constant dense<0.000000e+00> : vector<31x31xf32>
    %reduce_sum3A_13 = vector.multi_reduction <add>, %mul3A_12, %reduce_sum3A [2] : vector<31x31x10xf32> to vector<31x31xf32>
    %add3A = arith.constant 9.99999996E-13 : f32
    %add3A_14 = vector.broadcast %add3A : f32 to vector<31x31xf32>
    %add3A_15 = arith.addf %reduce_sum3A_13, %add3A_14 : vector<31x31xf32>
    %sqrt3A = math.sqrt %add3A_15 : vector<31x31xf32>
    %neg3A = arith.constant 0.000000e+00 : f32
    %neg3A_16 = vector.broadcast %neg3A : f32 to vector<31x31xf32>
    %neg3A_17 = arith.subf %neg3A_16, %sqrt3A : vector<31x31xf32>
    %exp3A = math.exp %neg3A_17 : vector<31x31xf32>
    %swap3A = arith.constant 0 : index
    %swap3A_18 = arith.constant 0 : index
    %swap3A_19 = vector.load %arg3[%swap3A, %swap3A_18] : memref<64x128xf32, #tpu.memory_space<vmem>>, vector<31x31xf32>
    tpu.vector_store %arg3[%swap3A, %swap3A_18], %exp3A {strides = array<i32>} : memref<64x128xf32, #tpu.memory_space<vmem>>, vector<31x31xf32>,
    %get3A_20 = arith.constant 0 : index
    %get3A_21 = vector.load %arg2[%get3A_20] : memref<10xf32, #tpu.memory_space<vmem>>, vector<10xf32>
    %broadcast_in_dim3A_22 = vector.shape_cast %get3A_21 : vector<10xf32> to vector<1x1x10xf32>
    %mul3A_23 = vector.broadcast %broadcast_in_dim3A_22 : vector<1x1x10xf32> to vector<31x31x10xf32>
    %mul3A_24 = arith.mulf %mul3A, %mul3A_23 : vector<31x31x10xf32>
    %reduce_sum3A_25 = arith.constant dense<0.000000e+00> : vector<31x31xf32>
    %reduce_sum3A_26 = vector.multi_reduction <add>, %mul3A_24, %reduce_sum3A_25 [2] : vector<31x31x10xf32> to vector<31x31xf32>
    %add3A_27 = arith.constant 9.99999996E-13 : f32
    %add3A_28 = vector.broadcast %add3A_27 : f32 to vector<31x31xf32>
    %add3A_29 = arith.addf %reduce_sum3A_26, %add3A_28 : vector<31x31xf32>
    %sqrt3A_30 = math.sqrt %add3A_29 : vector<31x31xf32>
    %neg3A_31 = arith.constant 0.000000e+00 : f32
    %neg3A_32 = vector.broadcast %neg3A_31 : f32 to vector<31x31xf32>
    %neg3A_33 = arith.subf %neg3A_32, %sqrt3A_30 : vector<31x31xf32>
    %exp3A_34 = math.exp %neg3A_33 : vector<31x31xf32>
    %swap3A_35 = arith.constant 32 : index
    %swap3A_36 = arith.constant 0 : index
    %swap3A_37 = vector.load %arg3[%swap3A_35, %swap3A_36] : memref<64x128xf32, #tpu.memory_space<vmem>>, vector<31x31xf32>
    tpu.vector_store %arg3[%swap3A_35, %swap3A_36], %exp3A_34 {strides = array<i32>} : memref<64x128xf32, #tpu.memory_space<vmem>>, vector<31x31xf32>,
    return
  }
}

</mosaic_0001>

<sc_bundles>
// kernel: kernel.4.cloned.1.call-start
scs
__scs_entry_jumppad:
0x0: {  	(pc) =	sbr.rel $0x88, $3  }
0x1: {  	(tag) =	ssettag $0x0;
	lr =	simm.s32 $0x1  }
0x2: {  	[smem:$0x3F9C] =	sst lr;
	_ =	strace $0xD0000000  }
0x3: {  	_ = 	snop  }
0x4: {  	_ = 	snop  }
0x5: {  	_ = 	snop  }
0x6: {  	_ = 	snop  }
0x7: {  	_ = 	snop  }
__scs_overlays_trampoline_lowered:
0x8: {  	[smem:$0x3FAB] =	sst s0  }
0x9: {  	[smem:$0x3FAC] =	sst s1  }
0xa: {  	[smem:$0x3FAD] =	sst s2  }
0xb: {  	[smem:$0x3FAE] =	sst s3  }
0xc: {  	[smem:$0x3FAF] =	sst s4  }
0xd: {  	[smem:$0x3FB0] =	sst s5  }
0xe: {  	[smem:$0x3FB1] =	sst s6  }
0xf: {  	[smem:$0x3FB2] =	sst s7  }
0x10: {  	[smem:$0x3FB3] =	sst s8  }
0x11: {  	[smem:$0x3FB4] =	sst s9;
	s0 =	simm.s32 @!p0 $0x0  }
0x12: {  	s1 =	sld [smem:$0x3F9A];
	s0 =	simm.s32 @p0 $0x1  }
0x13: {  	[smem:$0x3FB5] =	sst s0;
	s0 =	simm.s32 @!p1 $0x0  }
0x14: {  	s2 =	sld [smem:$0x3F99];
	s0 =	simm.s32 @p1 $0x1  }
0x15: {  	[smem:$0x3FB6] =	sst s0;
	s0 =	simm.s32 @!p2 $0x0  }
0x16: {  	s3 =	sld [smem:$0x3FDB];
	s0 =	simm.s32 @p2 $0x1  }
0x17: {  	s4 =	simm.s32 $0x1BF5;
	[smem:$0x3FB8] =	sst s0  }
0x18: {  	s0 =	sld [smem:$0x3F9B];
	_ =	swait.ge [sflag:s4], $0x0  }
0x19: {  	s7 =	sld [smem:$0x3F9C]  }
0x1a: {  	s8 =	sadd.s32 $0xFFFFE003, lr  }
0x1b: {  	s9 =	sadd.s32 $0xFFFFFEF7, lr;
	s5 =	simm.s32 $0xFFFFFFFF;
	p2 =	slt.u32 s8, $0xFFFFF086  }
0x1c: {  	p1 =	slt.u32 s9, $0xF7A;
	s5 =	simm.s32 @!p2 $0x0  }
0x1d: {  	s5 =	simm.s32 @p1 $0x1;
	p0 =	seq.s32 s7, s2  }
0x1e: {  	s7 =	smul.u32 @!p0 $0xF7A, s2;
	p2 =	seq.s32 @!p0 s5, $0x0  }
0x1f: {  	s9 =	smul.u32 $0xF7A, s1;
	s8 =	simm.s32 @!p0 $0x1BF5;
	p2 =	por !p2, p0  }
0x20: {  	[sflag:s8] =	ssyncset.s32 @!p0 $0xFFFFF086;
	s6 =	sadd.s32 @!p0 s3, s7;
	s7 =	simm.s32 @!p0 $0x108  }
0x21: {  	s3 =	sadd.s32 s3, s9;
	s6 =	sadd.s32 @!p0 $0x88, s6;
	s7 =	simm.s32 @p2 $0x1082  }
0x22: {  	[simem:s7], [sflag:s8] =	dma.local @!p0 [hbm:s6], $0xF7A  }
0x23: {  	s9 =	sor.u32 $0xD0000000, s2;
	s6 =	simm.s32 $0x108;
	_ =	swait.ge @!p0 [sflag:s8], $0x0  }
0x24: {  	s3 =	sadd.s32 $0x88, s3;
	s6 =	simm.s32 @!p1 $0x1082;
	[sflag:s4] =	ssyncset.s32 $0xFFFFF086  }
0x25: {  	[simem:s6], [sflag:s4] =	dma.local [hbm:s3], $0xF7A  }
0x26: {  	[smem:$0x3F9C] =	sst s1;
	(tag) =	ssettag s2;
	_ =	strace s9  }
0x27: {  	s1 =	sld [smem:$0x3FAC]  }
0x28: {  	s2 =	sld [smem:$0x3FAD]  }
0x29: {  	s4 =	sld [smem:$0x3FAF]  }
0x2a: {  	p0 =	seq.s32 s5, $0x0;
	s5 =	sld [smem:$0x3FB0]  }
0x2b: {  	s6 =	sld [smem:$0x3FB1]  }
0x2c: {  	s7 =	sld [smem:$0x3FB2]  }
0x2d: {  	s3 =	simm.s32 $0x108;
	s8 =	sld [smem:$0x3FB3]  }
0x2e: {  	s3 =	simm.s32 @!p0 $0x1082;
	s9 =	sld [smem:$0x3FB4]  }
0x2f: {  	lr =	sadd.s32 s0, s3;
	s0 =	sld [smem:$0x3FAB]  }
0x30: {  	s3 =	sld [smem:$0x3FAE]  }
0x31: {  	[smem:$0x3FB7] =	sst s10  }
0x32: {  	s10 =	sld [smem:$0x3FB5];
	_ =	sdelay $0x3  }
0x33: {  	p0 =	seq.s32 s10, $0x1;
	s10 =	sld [smem:$0x3FB7];
	_ =	sdelay $0x3  }
0x34: {  	[smem:$0x3FB7] =	sst s10  }
0x35: {  	s10 =	sld [smem:$0x3FB6];
	_ =	sdelay $0x3  }
0x36: {  	p1 =	seq.s32 s10, $0x1;
	s10 =	sld [smem:$0x3FB7];
	_ =	sdelay $0x3  }
0x37: {  	[smem:$0x3FB7] =	sst s10  }
0x38: {  	s10 =	sld [smem:$0x3FB8]  }
0x39: {  	_ = 	snop;
	(pc) =	sbr.ind lr, $3  }
0x3a: {  	_ = 	snop  }
0x3b: {  	_ = 	snop  }
0x3c: {  	p2 =	seq.s32 s10, $0x1;
	s10 =	sld [smem:$0x3FB7]  }
0x3d: {  	_ =	shalt  }
0x3e: {  	_ =	shalt  }
0x3f: {  	_ =	shalt  }
0x40: {  	_ =	shalt  }
0x41: {  	_ =	shalt  }
0x42: {  	_ =	shalt  }
0x43: {  	_ =	shalt  }
0x44: {  	_ =	shalt  }
0x45: {  	_ =	shalt  }
0x46: {  	_ =	shalt  }
0x47: {  	_ =	shalt  }
0x48: {  	_ =	shalt  }
0x49: {  	_ =	shalt  }
0x4a: {  	_ =	shalt  }
0x4b: {  	_ =	shalt  }
0x4c: {  	_ =	shalt  }
0x4d: {  	_ =	shalt  }
0x4e: {  	_ =	shalt  }
0x4f: {  	_ =	shalt  }
0x50: {  	_ =	shalt  }
0x51: {  	_ =	shalt  }
0x52: {  	_ =	shalt  }
0x53: {  	_ =	shalt  }
0x54: {  	_ =	shalt  }
0x55: {  	_ =	shalt  }
0x56: {  	_ =	shalt  }
0x57: {  	_ =	shalt  }
0x58: {  	_ =	shalt  }
0x59: {  	_ =	shalt  }
0x5a: {  	_ =	shalt  }
0x5b: {  	_ =	shalt  }
0x5c: {  	_ =	shalt  }
0x5d: {  	_ =	shalt  }
0x5e: {  	_ =	shalt  }
0x5f: {  	_ =	shalt  }
0x60: {  	_ =	shalt  }
0x61: {  	_ =	shalt  }
0x62: {  	_ =	shalt  }
0x63: {  	_ =	shalt  }
0x64: {  	_ =	shalt  }
0x65: {  	_ =	shalt  }
0x66: {  	_ =	shalt  }
0x67: {  	_ =	shalt  }
0x68: {  	_ =	shalt  }
0x69: {  	_ =	shalt  }
0x6a: {  	_ =	shalt  }
0x6b: {  	_ =	shalt  }
0x6c: {  	_ =	shalt  }
0x6d: {  	_ =	shalt  }
0x6e: {  	_ =	shalt  }
0x6f: {  	_ =	shalt  }
0x70: {  	_ =	shalt  }
0x71: {  	_ =	shalt  }
0x72: {  	_ =	shalt  }
0x73: {  	_ =	shalt  }
0x74: {  	_ =	shalt  }
0x75: {  	_ =	shalt  }
0x76: {  	_ =	shalt  }
0x77: {  	_ =	shalt  }
0x78: {  	_ =	shalt  }
0x79: {  	_ =	shalt  }
0x7a: {  	_ =	shalt  }
0x7b: {  	_ =	shalt  }
0x7c: {  	_ =	shalt  }
0x7d: {  	_ =	shalt  }
0x7e: {  	_ =	shalt  }
0x7f: {  	_ =	shalt  }
0x80: {  	_ =	shalt  }
0x81: {  	_ =	shalt  }
0x82: {  	_ =	shalt  }
0x83: {  	_ =	shalt  }
0x84: {  	_ =	shalt  }
0x85: {  	_ =	shalt  }
0x86: {  	_ =	shalt  }
0x87: {  	_ =	shalt  }
.Lfunc_end0:
.L_simem_size_0:
called_computation_lowered:
.L_overlay_start_0:
0x88: {  	s2 =	sld [smem:$0x3FD9]  }
0x89: {  	s3 =	sld [smem:$0x3FFE];
	_ =	sdelay $0x1  }
0x8a: {  	s1 =	srdreg.scid  }
0x8b: {  	s0 =	sand.u32 $0x1, s1  }
0x8c: {  	s17 =	sshll.u32 s0, $0xA;
	s2 =	sadd.s32 s3, s2  }
0x8d: {  	s2 =	sadd.s32 s2, s17  }
0x8e: {  	[smem:$0x3FC3] =	sst s2  }
0x8f: {  	_ = 	snop  }
0x90: {  	s2 =	sld [smem:$0x3FC8]  }
0x91: {  	s18 =	sld [smem:$0x3FD0];
	(tm) =	ssettm $0x1  }
0x92: {  	s4 =	sld [smem:$0x3FFB];
	_ =	sdelay $0x3  }
0x93: {  	_ =	strace s4  }
0x94: {  	s4 =	sld [smem:$0x3FFC];
	_ =	sdelay $0x3  }
0x95: {  	_ =	strace s4  }
0x96: {  	s4 =	sld [smem:$0x3FFD];
	_ =	sdelay $0x3  }
0x97: {  	_ =	strace s4  }
0x98: {  	_ =	strace $0x8FFFFFFF  }
0x99: {  	s19 =	sld [smem:$0x3FDB];
	_ =	sdelay $0x1  }
0x9a: {  	s5 =	simm.s32 $_scs_section_size  }
0x9b: {  	s6 =	simm.s32 $_size__tile_overlayer_lowered;
	s7 =	simm.s32 $_tile_overlayer_lowered  }
0x9c: {  	s22 =	simm.s32 $0x1BFF;
	s21 =	sshll.u32 s7, $0x1;
	s4 =	sadd.s32 s5, s19  }
0x9d: {  	s8 =	simm.s32 $0x0;
	s20 =	sshll.u32 s6, $0x1;
	s6 =	sadd.s32 s21, s4  }
0x9e: {  	[timem:s8], [sflag:s22] =	dma.local [hbm:s6], s20  }
0x9f: {  	_ =	swait.ge [sflag:s22], s20  }
0xa0: {  	s5 =	ssub.s32 $0x0, s20;
	[sflag:s22] =	ssyncset.done $0x0  }
0xa1: {  	[sflag:s22] =	ssyncadd.s32 s5;
	_ =	sdelay $0x1  }
0xa2: {  	s23 =	simm.s32 $0x1B8B  }
0xa3: {  	_ =	swait.ge [sflag:s23], $0x1  }
0xa4: {  	[sflag:s23] =	ssyncset.done $0x0  }
0xa5: {  	s25 =	simm.s32 $0x1B8E;
	s24 =	sld [smem:$0x3FFE];
	[sflag:s23] =	ssyncadd.s32 $0xFFFFFFFF  }
0xa6: {  	s26 =	simm.s32 $execute0_lowered;
	[smem:$0x3FD2] =	sst s25  }
0xa7: {  	s6 =	sshll.u32 s26, $0x1;
	_ =	strace $0x80000046;
	[dreg:$0x1] =	wrdreg $0xFFFFFFFF  }
0xa8: {  	s28 =	simm.s32 $_size_execute0_lowered;
	s4 =	sadd.s32 s4, s6;
	[dreg:$0x0] =	wrdreg $0x0  }
0xa9: {  	s6 =	sshll.u32 s28, $0x1;
	[dreg:$0x2] =	wrdreg s4  }
0xaa: {  	[dreg:$0x3] =	wrdreg s6  }
0xab: {  	[dreg:$0x4] =	wrdreg $0xC0  }
0xac: {  	_ =	task [dreg:s8], $0x5FFFF  }
0xad: {  	[dreg:$0x1] =	wrdreg $0xFFFFFFFF  }
0xae: {  	[dreg:$0x0] =	wrdreg $0x60  }
0xaf: {  	[dreg:$0x2] =	wrdreg s24  }
0xb0: {  	[dreg:$0x3] =	wrdreg s2  }
0xb1: {  	[dreg:$0x4] =	wrdreg s18  }
0xb2: {  	[dreg:$0x5] =	wrdreg $0x9  }
0xb3: {  	_ =	task.clear_ibuf [dreg:s8], $0x6FFFF;
	_ =	strace $0x90000046  }
0xb4: {  	s29 =	simm.s32 $0x9;
	_ =	strace $0x80000048  }
0xb5: {  	_ =	swait.ge [sflag:s29], $0x1  }
0xb6: {  	[sflag:s29] =	ssyncadd.s32 $0xFFFFFFFF  }
0xb7: {  	_ =	strace $0x90000048  }
0xb8: {  	_ =	sfence  }
0xb9: {  	s30 =	sld [smem:$0x0];
	_ =	sdelay $0x2  }
0xba: {  	s31 =	sshll.u32 s1, $0xD;
	s1 =	sshrl.u32 s1, $0x2  }
0xbb: {  	s3 =	sand.u32 $0x4000, s31;
	s1 =	sadd.s32 s1, s30  }
0xbc: {  	s0 =	sor.u32 s3, s0;
	s1 =	sshll.u32 s1, $0x11  }
0xbd: {  	s0 =	sor.u32 s1, s0  }
0xbe: {  	s0 =	sadd.s32 $0x8F2B, s0  }
0xbf: {  	[sflag:s0] =	ssyncadd.remote.s32 $0x1  }
0xc0: {  	_ =	sfence.sel $0xFFFF  }
0xc1: {  	[dreg:$0x0] =	wrdreg $0xFFFFFFFF;
	(pc) =	sbr.abs _section_cstart, $3  }
0xc2: {  	[dreg:$0x1] =	wrdreg $0xFFFFFFFF  }
0xc3: {  	_ =	task.clear_ibuf [dreg:s8], $0x2FFFF;
	_ =	strace $0x9FFFFFFF  }
0xc4: {  	(tm) =	ssettm $0x7FFFFFFF  }
0xc5: {  	_ =	shalt  }
tec
execute0_lowered:
.L_overlay_start_1:
0x0: {  	(tag) =	ssettag $0x1  }
0x1: {  	s4 =	rddreg [dreg:$0x0]  }
0x2: {  	s5 =	rddreg [dreg:$0x1]  }
0x3: {  	s6 =	rddreg [dreg:$0x2]  }
0x4: {  	s0 =	rddreg [dreg:$0x3]  }
0x5: {  	s2 =	simm.s32 $0x0;
	s3 =	srdreg.scid;
	s1 =	stileid.u32  }
0x6: {  	s11 =	simm.s32 $0x2A00;
	s12 =	simm.s32 $0x1;
	s13 =	simm.s32 $0x2C00  }
0x7: {  	s14 =	simm.s32 $0x2;
	s15 =	simm.s32 $0x0;
	[smem:$0x7FF] =	sst s2  }
0x8: {  	s3 =	sand.u32 $0x1, s3;
	s7 =	sshll.u32 s1, $0x1;
	_ =	strace $0x80000047  }
0x9: {  	s7 =	sor.u32 s3, s7;
	s8 =	ssub.s32 $0x2, s3;
	s3 =	sadd.s32 $0x3200, s4  }
0xa: {  	s9 =	sshll.u32 s7, $0x6;
	s10 =	sshrl.u32 s8, $0x1;
	s7 =	sshll.u32 s7, $0x8  }
0xb: {  	s4 =	sadd.s32 s9, s4;
	s8 =	ssub.s32 s8, s10;
	s5 =	sadd.s32 s5, s9  }
0xc: {  	s6 =	sadd.s32 s6, s7;
	s9 =	simm.s32 $0x4000;
	s10 =	simm.s32 $0x2000  }
0xd: {  	s4 =	sadd.s32 $0xA00, s4;
	s7 =	smax.u32 s8, $0x1;
	s8 =	simm.s32 $0x200  }
.LBB2_1:
0xe: {  	[tilespmem:s2], [sflag:$0x1] =	stream.linear.gather [hbm4b:s3+s2], $0x2000, $0x38;
	[tilespmem:$0x3400] =	vst v63  }
0xf: {  	_ = 	snop  }
0x10: {  	[tilespmem:s10], [sflag:$0x1] =	stream.strided.gather [hbm4b:s4+s8], $0xA00, s9, s8, $0x38;
	[tilespmem:$0x3400] =	vst v63  }
0x11: {  	_ = 	snop  }
0x12: {  	[tilespmem:s11], [sflag:$0x1] =	stream.linear.gather [hbm4b:s5+s2], $0x200, $0x38;
	[tilespmem:$0x3400] =	vst v63  }
0x13: {  	_ =	swait.ge [sflag:s12], $0x2000  }
0x14: {  	[sflag:s12] =	ssyncset.done $0x0  }
0x15: {  	[sflag:s12] =	ssyncadd.s32 $0xFFFFE000  }
0x16: {  	_ =	swait.ge [sflag:s12], $0xA00  }
0x17: {  	[sflag:s12] =	ssyncset.done $0x0  }
0x18: {  	[sflag:s12] =	ssyncadd.s32 $0xFFFFF600  }
0x19: {  	_ =	swait.ge [sflag:s12], $0x200  }
0x1a: {  	[sflag:s12] =	ssyncset.done $0x0  }
0x1b: {  	s16 =	simm.s32 $0x0;
	[sflag:s12] =	ssyncadd.s32 $0xFFFFFE00  }
0x1c: {  	v0 =	vld [tilespmem:s16+$0x2A30]  }
0x1d: {  	v1 =	vld [tilespmem:s16+$0x2030]  }
0x1e: {  	v2 =	vld [tilespmem:s16+$0x2A00]  }
0x1f: {  	v3 =	vld [tilespmem:s16+$0x2230]  }
0x20: {  	v4 =	vld [tilespmem:s16+$0x2430]  }
0x21: {  	v5 =	vld [tilespmem:s16+$0x2630]  }
0x22: {  	v6 =	vld [tilespmem:s16+$0x2830]  }
0x23: {  	v7 =	vld [tilespmem:s16+$0x2000];
	v0 =	vshll.u32 v0, $0xC;
	v1 =	vshll.u32 v1, $0x7  }
0x24: {  	v8 =	vld [tilespmem:s16+$0x2010];
	v0 =	vadd.s32 v0, v1  }
0x25: {  	v9 =	vld [tilespmem:s16+$0x2A20];
	v3 =	vadd.s32 v3, v0  }
0x26: {  	v10 =	vld [tilespmem:s16+$0x2020];
	v4 =	vadd.s32 v0, v4  }
0x27: {  	v11 =	vld [tilespmem:s16+$0x2410];
	v5 =	vadd.s32 v0, v5  }
0x28: {  	v18 =	vld [tilespmem:s16+$0x2810];
	v0 =	vadd.s32 v0, v6  }
0x29: {  	v1 =	vld [tilespmem:s16+$0x2A10]  }
0x2a: {  	v12 =	vld.idx.msk [tilespmem:v3+s2+$0x0], $0xffff  }
0x2b: {  	v14 =	vld.idx.msk [tilespmem:v4+s2+$0x0], $0xffff  }
0x2c: {  	v17 =	vld.idx.msk [tilespmem:v5+s2+$0x0], $0xffff  }
0x2d: {  	v13 =	vld.idx.msk [tilespmem:v0+s2+$0x0], $0xffff  }
0x2e: {  	v6 =	vld [tilespmem:s16+$0x2200]  }
0x2f: {  	v0 =	vld [tilespmem:s16+$0x2400]  }
0x30: {  	v3 =	vld [tilespmem:s16+$0x2600]  }
0x31: {  	v2 =	vshll.u32 v2, $0xC;
	v7 =	vshll.u32 v7, $0x7;
	v4 =	vld [tilespmem:s16+$0x2800]  }
0x32: {  	v2 =	vadd.s32 v2, v7;
	v7 =	vld [tilespmem:s16+$0x2610];
	v15 =	vadd.f32 v14, v12;
	v16 =	vadd.f32 v13, v17  }
0x33: {  	v5 =	vld [tilespmem:s16+$0x2210];
	v6 =	vadd.s32 v6, v2  }
0x34: {  	v19 =	vld [tilespmem:s16+$0x2220];
	v0 =	vadd.s32 v2, v0;
	v15 =	vadd.f32 v16, v15  }
0x35: {  	v20 =	vld [tilespmem:s16+$0x2820];
	v8 =	vshll.u32 v8, $0x7;
	v1 =	vshll.u32 v1, $0xC;
	v3 =	vadd.s32 v2, v3  }
0x36: {  	v1 =	vadd.s32 v1, v8;
	v2 =	vadd.s32 v2, v4;
	v4 =	vld [tilespmem:s16+$0x2620];
	(erf) = vrcp.f32 v15  }
0x37: {  	v11 =	vadd.s32 v1, v11;
	v16 =	vld [tilespmem:s16+$0x2420]  }
0x38: {  	v8 =	vshll.u32 v10, $0x7;
	v10 =	vadd.s32 v1, v7;
	v15 =	vadd.s32 v5, v1;
	v5 =	vld.idx.msk [tilespmem:v6+s2+$0x0], $0xffff  }
0x39: {  	v6 =	vshll.u32 v9, $0xC;
	v7 =	vld.idx.msk [tilespmem:v0+s2+$0x0], $0xffff  }
0x3a: {  	v18 =	vadd.s32 v1, v18;
	v6 =	vadd.s32 v6, v8;
	v8 =	vld.idx.msk [tilespmem:v3+s2+$0x0], $0xffff  }
0x3b: {  	v9 =	vld.idx.msk [tilespmem:v2+s2+$0x0], $0xffff;
	v19 =	vadd.s32 v19, v6  }
0x3c: {  	v0 =	vld.idx.msk [tilespmem:v11+s2+$0x0], $0xffff;
	v21 =	vadd.s32 v6, v16  }
0x3d: {  	v2 =	vld.idx.msk [tilespmem:v10+s2+$0x0], $0xffff;
	v22 =	vadd.s32 v6, v4  }
0x3e: {  	s17 =	sand.u32 $0x600, s2;
	s18 =	simm.s32 $0x10;
	v11 =	vadd.s32 v6, v20;
	v1 =	vld.idx.msk [tilespmem:v15+s2+$0x0], $0xffff  }
0x3f: {  	s19 =	simm.s32 $0x30;
	s31 =	simm.s32 $0x20;
	s22 =	sand.u32 $0x40, s2;
	v3 =	vld.idx.msk [tilespmem:v18+s2+$0x0], $0xffff;
	v10 =	vpop (erf)  }
0x40: {  	s21 =	sadd.s32 $0x2C00, s17;
	s19 =	sand.u32 $0x70, s19;
	s18 =	sand.u32 $0x50, s18;
	v4 =	vld.idx.msk [tilespmem:v19+s2+$0x0], $0xffff;
	v18 =	vmul.f32 v10, v13  }
0x41: {  	s23 =	sand.u32 $0x60, s31;
	s17 =	simm.s32 $0x100;
	s24 =	sor.u32 s19, s21;
	v16 =	vadd.f32 v9, v8;
	v6 =	vld.idx.msk [tilespmem:v21+s2+$0x0], $0xffff;
	v13 =	vadd.f32 v7, v5;
	v12 =	vmul.f32 v10, v12  }
0x42: {  	s19 =	sor.u32 s18, s21;
	s18 =	simm.s32 $0x0;
	s16 =	simm.s32 $0x0;
	v15 =	vmul.f32 v10, v14;
	v14 =	vmul.f32 v10, v17;
	v10 =	vld.idx.msk [tilespmem:v22+s2+$0x0], $0xffff;
	[tilespmem:s24+$0x180] =	vst v18  }
.LBB2_2:
0x43: {  	s20 =	sshra.s32 s17, $0x2;
	v13 =	vadd.f32 v16, v13;
	s22 =	sor.u32 s22, s21;
	v16 =	vadd.f32 v0, v1;
	v11 =	vld.idx.msk [tilespmem:v11+s2+$0x0], $0xffff;
	s21 =	sor.u32 s23, s21;
	[tilespmem:s24+$0x0] =	vst v12  }
0x44: {  	v12 =	vld [tilespmem:s20+$0x2A30];
	[tilespmem:s24+$0x80] =	vst v15  }
0x45: {  	v17 =	vadd.f32 v3, v2;
	v15 =	vld [tilespmem:s20+$0x2030];
	[tilespmem:s24+$0x100] =	vst v14;
	(erf) = vrcp.f32 v13  }
0x46: {  	v13 =	vld [tilespmem:s20+$0x2A00]  }
0x47: {  	s16 =	sadd.s32 $0x4, s16;
	v16 =	vadd.f32 v17, v16;
	v17 =	vadd.f32 v6, v4;
	v14 =	vld [tilespmem:s20+$0x2230]  }
0x48: {  	p0 =	slt.u32 s16, $0x1C;
	v18 =	vld [tilespmem:s20+$0x2430]  }
0x49: {  	v20 =	vadd.f32 v11, v10;
	v19 =	vld [tilespmem:s20+$0x2630];
	(erf) = vrcp.f32 v16  }
0x4a: {  	v12 =	vshll.u32 v12, $0xC;
	v15 =	vshll.u32 v15, $0x7;
	v16 =	vld [tilespmem:s20+$0x2830]  }
0x4b: {  	v13 =	vshll.u32 v13, $0xC;
	v21 =	vld [tilespmem:s20+$0x2000];
	v12 =	vadd.s32 v12, v15;
	v15 =	vadd.f32 v20, v17  }
0x4c: {  	v17 =	vld [tilespmem:s20+$0x2A10];
	v14 =	vadd.s32 v14, v12  }
0x4d: {  	v20 =	vld [tilespmem:s20+$0x2010];
	v18 =	vadd.s32 v12, v18;
	(erf) = vrcp.f32 v15  }
0x4e: {  	v15 =	vld [tilespmem:s20+$0x2A20];
	v19 =	vadd.s32 v12, v19;
	v22 =	vpop (erf)  }
0x4f: {  	v23 =	vld [tilespmem:s20+$0x2020];
	v12 =	vadd.s32 v12, v16;
	v5 =	vmul.f32 v22, v5;
	v24 =	vmul.f32 v22, v7  }
0x50: {  	v8 =	vmul.f32 v22, v8;
	v9 =	vmul.f32 v22, v9;
	v16 =	vshll.u32 v21, $0x7;
	v21 =	vld [tilespmem:s20+$0x2200]  }
0x51: {  	v13 =	vadd.s32 v13, v16;
	v16 =	vshll.u32 v17, $0xC;
	v14 =	vld.idx.msk [tilespmem:v14+s2+$0x0], $0xffff;
	[tilespmem:s22+$0x0] =	vst v5  }
0x52: {  	v5 =	vshll.u32 v20, $0x7;
	v17 =	vld.idx.msk [tilespmem:v18+s2+$0x0], $0xffff;
	[tilespmem:s22+$0x80] =	vst v24;
	v7 =	vpop (erf)  }
0x53: {  	v16 =	vadd.s32 v16, v5;
	v5 =	vshll.u32 v15, $0xC;
	v18 =	vld.idx.msk [tilespmem:v19+s2+$0x0], $0xffff;
	[tilespmem:s22+$0x100] =	vst v8;
	v1 =	vmul.f32 v7, v1  }
0x54: {  	v20 =	vmul.f32 v7, v0;
	v2 =	vmul.f32 v7, v2;
	v8 =	vshll.u32 v23, $0x7;
	v15 =	vld.idx.msk [tilespmem:v12+s2+$0x0], $0xffff;
	[tilespmem:s22+$0x180] =	vst v9  }
0x55: {  	v9 =	vadd.s32 v21, v13;
	v12 =	vld [tilespmem:s20+$0x2400];
	v19 =	vadd.s32 v5, v8;
	[tilespmem:s19+$0x0] =	vst v1;
	v1 =	vmul.f32 v7, v3  }
0x56: {  	v3 =	vld [tilespmem:s20+$0x2600];
	[tilespmem:s19+$0x80] =	vst v20;
	v0 =	vpop (erf)  }
0x57: {  	v5 =	vld [tilespmem:s20+$0x2800];
	[tilespmem:s19+$0x100] =	vst v2;
	v2 =	vmul.f32 v0, v4;
	v4 =	vmul.f32 v0, v6  }
0x58: {  	v6 =	vld [tilespmem:s20+$0x2210];
	[tilespmem:s19+$0x180] =	vst v1;
	v1 =	vmul.f32 v0, v10;
	v0 =	vmul.f32 v0, v11  }
0x59: {  	v7 =	vld [tilespmem:s20+$0x2410];
	[tilespmem:s21+$0x0] =	vst v2  }
0x5a: {  	v10 =	vadd.f32 v17, v14;
	v11 =	vadd.f32 v15, v18;
	v2 =	vadd.s32 v13, v12;
	v8 =	vld [tilespmem:s20+$0x2610];
	[tilespmem:s21+$0x80] =	vst v4  }
0x5b: {  	v3 =	vadd.s32 v13, v3;
	v4 =	vld [tilespmem:s20+$0x2810];
	[tilespmem:s21+$0x100] =	vst v1  }
0x5c: {  	v1 =	vadd.s32 v13, v5;
	v12 =	vld [tilespmem:s20+$0x2220];
	v5 =	vadd.f32 v11, v10;
	[tilespmem:s21+$0x180] =	vst v0  }
0x5d: {  	v0 =	vadd.s32 v6, v16;
	v6 =	vld [tilespmem:s20+$0x2420]  }
0x5e: {  	v10 =	vadd.s32 v16, v7;
	v11 =	vld [tilespmem:s20+$0x2620];
	(erf) = vrcp.f32 v5  }
0x5f: {  	v13 =	vadd.s32 v16, v8;
	v20 =	vld [tilespmem:s20+$0x2820]  }
0x60: {  	v5 =	vld.idx.msk [tilespmem:v9+s2+$0x0], $0xffff;
	v4 =	vadd.s32 v16, v4  }
0x61: {  	v7 =	vld.idx.msk [tilespmem:v2+s2+$0x0], $0xffff;
	v12 =	vadd.s32 v12, v19  }
0x62: {  	v8 =	vld.idx.msk [tilespmem:v3+s2+$0x0], $0xffff;
	v6 =	vadd.s32 v19, v6  }
0x63: {  	v9 =	vld.idx.msk [tilespmem:v1+s2+$0x0], $0xffff;
	v21 =	vadd.s32 v19, v11  }
0x64: {  	v1 =	vld.idx.msk [tilespmem:v0+s2+$0x0], $0xffff;
	v11 =	vadd.s32 v19, v20  }
0x65: {  	v0 =	vld.idx.msk [tilespmem:v10+s2+$0x0], $0xffff  }
.Ltmp0:
0x66: {  	s18 =	sadd.s32 $0x40, s18;
	v2 =	vld.idx.msk [tilespmem:v13+s2+$0x0], $0xffff;
	(pc) =	sbr.rel @p0 .LBB2_2-.Ltmp0, $4  }
0x67: {  	s22 =	sadd.s32 $0x30, s18;
	s19 =	sand.u32 $0x600, s17;
	s20 =	sadd.s32 $0x10, s18;
	v13 =	vadd.f32 v7, v5;
	v3 =	vld.idx.msk [tilespmem:v4+s2+$0x0], $0xffff;
	v10 =	vpop (erf)  }
0x68: {  	s22 =	sand.u32 $0x70, s22;
	s21 =	sadd.s32 $0x2C00, s19;
	s19 =	sadd.s32 $0x20, s18;
	v4 =	vld.idx.msk [tilespmem:v12+s2+$0x0], $0xffff;
	v12 =	vmul.f32 v10, v14;
	v19 =	vmul.f32 v10, v15  }
0x69: {  	s23 =	sand.u32 $0x60, s19;
	s24 =	sor.u32 s22, s21;
	s20 =	sand.u32 $0x50, s20;
	v16 =	vadd.f32 v9, v8;
	v15 =	vmul.f32 v10, v17;
	v14 =	vmul.f32 v10, v18;
	v6 =	vld.idx.msk [tilespmem:v6+s2+$0x0], $0xffff  }
0x6a: {  	s17 =	sadd.s32 $0x100, s17;
	s22 =	sand.u32 $0x40, s18;
	s19 =	sor.u32 s20, s21;
	v10 =	vld.idx.msk [tilespmem:v21+s2+$0x0], $0xffff;
	[tilespmem:s24+$0x180] =	vst v19  }
0x6b: {  	_ =	sdelay $0x2  }
0x6c: {  	v13 =	vadd.f32 v16, v13  }
0x6d: {  	v11 =	vld.idx.msk [tilespmem:v11+s2+$0x0], $0xffff  }
0x6e: {  	v49 =	vadd.f32 v0, v1;
	v50 =	vadd.f32 v3, v2;
	(erf) = vrcp.f32 v13;
	_ =	sdelay $0x1  }
0x6f: {  	v13 =	vadd.f32 v50, v49;
	_ =	sdelay $0x1  }
0x70: {  	v51 =	vadd.f32 v6, v4;
	(erf) = vrcp.f32 v13;
	v52 =	vadd.f32 v11, v10;
	_ =	sdelay $0x1  }
0x71: {  	v13 =	vadd.f32 v52, v51;
	_ =	sdelay $0x1  }
0x72: {  	(erf) = vrcp.f32 v13  }
0x73: {  	[tilespmem:s24+$0x0] =	vst v12;
	v53 =	vpop (erf)  }
0x74: {  	[tilespmem:s24+$0x80] =	vst v15;
	v5 =	vmul.f32 v53, v5  }
0x75: {  	s16 =	sor.u32 s22, s21;
	[tilespmem:s24+$0x100] =	vst v14;
	v7 =	vmul.f32 v53, v7  }
0x76: {  	v8 =	vmul.f32 v53, v8;
	[tilespmem:s16+$0x0] =	vst v5  }
0x77: {  	v54 =	vmul.f32 v53, v9;
	[tilespmem:s16+$0x80] =	vst v7;
	v55 =	vpop (erf)  }
0x78: {  	[tilespmem:s16+$0x100] =	vst v8;
	v56 =	vmul.f32 v55, v1  }
0x79: {  	[tilespmem:s16+$0x180] =	vst v54;
	v57 =	vmul.f32 v55, v0  }
0x7a: {  	v58 =	vmul.f32 v55, v2;
	[tilespmem:s19+$0x0] =	vst v56  }
0x7b: {  	v59 =	vmul.f32 v55, v3;
	[tilespmem:s19+$0x80] =	vst v57;
	v60 =	vpop (erf)  }
0x7c: {  	[tilespmem:s19+$0x100] =	vst v58;
	v61 =	vmul.f32 v60, v4  }
0x7d: {  	s31 =	sor.u32 s23, s21;
	[tilespmem:s19+$0x180] =	vst v59;
	v62 =	vmul.f32 v60, v6  }
0x7e: {  	v63 =	vmul.f32 v60, v10;
	[tilespmem:s31+$0x0] =	vst v61  }
0x7f: {  	s15 =	sadd.s32 $0x1, s15;
	v0 =	vmul.f32 v60, v11;
	[tilespmem:s31+$0x80] =	vst v62  }
0x80: {  	p0 =	sne.s32 s15, s7;
	[tilespmem:s31+$0x100] =	vst v63  }
.Ltmp1:
0x81: {  	[tilespmem:s31+$0x180] =	vst v0;
	(pc) =	sbr.rel @p0 .LBB2_1-.Ltmp1, $4  }
0x82: {  	[hbm4b:s6+s2] =	stream.linear.scatter [tilespmem:s13], [sflag:$0x2], $0x800, $0x38;
	[tilespmem:$0x3400] =	vst v63  }
0x83: {  	_ =	swait.ge [sflag:s14], $0x800  }
0x84: {  	[sflag:s14] =	ssyncset.done $0x0  }
0x85: {  	[sflag:s14] =	ssyncadd.s32 $0xFFFFF800  }
0x86: {  	_ =	sfence.sel $0x180000  }
0x87: {  	[bflag:$0x0] =	sbarrier.arrive $0xFFFF  }
0x88: {  	p0 =	sne.s32 s1, $0x0;
	_ =	strace $0x90000047  }
0x89: {  	s0 =	sadd.s32 @!p0 $0x100000, s0;
	[bflag:$0x2] =	sbarrier.arrive $0xFFFF  }
0x8a: {  	[sflag:s0] =	ssyncadd.tile.s32 @!p0 $0x1;
	_ =	shalt  }
.Lfunc_end2:
_tile_overlayer_lowered:
.L_overlay_start_2:
0x8b: {  	(tag) =	ssettag $0x2  }
0x8c: {  	s0 =	rddreg [dreg:$0x0];
	s2 =	stileid.u32  }
0x8d: {  	s1 =	rddreg [dreg:$0x1];
	p0 =	sne.s32 s2, $0x0  }
0x8e: {  	s3 =	rddreg [dreg:$0x2];
	[bflag:$0x3] =	sbarrier.arrive $0xFFFF;
	s2 =	simm.s32 @!p0 $0x1C02  }
0x8f: {  	[timem:s3], [sflag:s2] =	dma.local @!p0 [hbm:s0], s1  }
0x90: {  	s0 =	simm.s32 @!p0 $0x2  }
0x91: {  	_ =	swait.ge @!p0 [sflag:s0], s1  }
0x92: {  	s1 =	ssub.s32 @!p0 $0x0, s1;
	[sflag:s0] =	ssyncset.done @!p0 $0x0  }
0x93: {  	[sflag:s0] =	ssyncadd.s32 @!p0 s1  }
0x94: {  	[bflag:$0x3] =	sbarrier.arrive $0xFFFF  }
0x95: {  	_ =	shalt  }

</sc_bundles>
